<compile_context>
chip_gen: v7x
topology: tpu7x:2x2x1
jax: 0.10.2.dev20260603
libtpu: 0.0.44.dev20260713+nightly
codegen_flags: <defaults>
</compile_context>

<pallas_src>
import functools

import jax
import jax.numpy as jnp
from jax import lax
from jax.experimental import pallas as pl
from jax.experimental.pallas import tpu as pltpu
from jax.experimental.pallas import tpu_sc as plsc

B = 16384
F = 26
FPAD = 32
INPUT_ROWS = 1000000
WPAD = 1000448
NC, NS, L = 2, 16, 16
NW = NC * NS
RPW = B // NW
IPW = RPW * F
CB = B // 128
CBW = RPW // 128

_mesh = plsc.VectorSubcoreMesh(core_axis_name="c", subcore_axis_name="s")


@functools.partial(
    pl.kernel,
    out_type=jax.ShapeDtypeStruct((B,), jnp.float32),
    mesh=_mesh,
    compiler_params=pltpu.CompilerParams(
        needs_layout_passes=False, use_tc_tiling_on_sc=False
    ),
    scratch_types=[
        pltpu.VMEM((FPAD // 8, CBW, 8, 128), jnp.int32),
        pltpu.VMEM((IPW,), jnp.float32),
        pltpu.VMEM((RPW,), jnp.float32),
        pltpu.VMEM((L,), jnp.float32),
        pltpu.VMEM_SHARED((WPAD,), jnp.float32),
        pltpu.SemaphoreType.DMA,
        pltpu.SemaphoreType.DMA,
    ],
)
def _lr_kernel(idx_hbm, w_hbm, b_hbm, out_hbm, idx_v, vals_v, out_v, b_v, w_s, ssem, sem):
    sid = lax.axis_index("s")
    wid = sid * NC + lax.axis_index("c")
    cb0 = wid * CBW
    SPT = WPAD // NS
    pltpu.async_copy(
        w_hbm.at[pl.ds(sid * SPT, SPT)], w_s.at[pl.ds(sid * SPT, SPT)], ssem
    )
    pltpu.sync_copy(idx_hbm.at[:, pl.ds(cb0, CBW), :, :], idx_v)
    pltpu.sync_copy(b_hbm, b_v)
    pltpu.make_async_copy(
        w_hbm.at[pl.ds(sid * SPT, SPT)], w_s.at[pl.ds(sid * SPT, SPT)], ssem
    ).wait()
    plsc.subcore_barrier()

    def fire(f, carry):
        rb = f // 8
        rr = lax.rem(f, 8)
        for j in range(CBW):
            iv = idx_v.at[rb, j, rr, :]
            pltpu.async_copy(
                w_s.at[iv], vals_v.at[pl.ds(f * RPW + j * 128, 128)], sem
            )
        return carry

    lax.fori_loop(0, F, fire, 0)
    pltpu.make_async_copy(w_hbm.at[pl.ds(0, IPW)], vals_v, sem).wait()

    bias = b_v[...]

    def group(g, carry):
        acc0 = bias + vals_v[pl.ds(0 * RPW + g * L, L)]
        acc1 = vals_v[pl.ds(1 * RPW + g * L, L)]
        for f in range(2, F, 2):
            acc0 = acc0 + vals_v[pl.ds(f * RPW + g * L, L)]
            acc1 = acc1 + vals_v[pl.ds((f + 1) * RPW + g * L, L)]
        out_v[pl.ds(g * L, L)] = acc0 + acc1
        return carry

    lax.fori_loop(0, RPW // L, group, 0)
    pltpu.sync_copy(out_v, out_hbm.at[pl.ds(wid * RPW, RPW)])


def kernel(inputs, w, b):
    it = lax.pad(inputs.T, jnp.int32(0), ((0, FPAD - F, 0), (0, 0, 0)))
    idx = it.reshape(FPAD // 8, 8, CB, 128).transpose(0, 2, 1, 3)
    w_flat = lax.pad(w, jnp.float32(0), ((0, WPAD - INPUT_ROWS, 0), (0, 0, 0))).reshape(WPAD)
    b_vec = jnp.broadcast_to(b, (L,)).astype(jnp.float32)
    out = _lr_kernel(idx, w_flat, b_vec)
    return out.reshape(B, 1)

# --- scband reference (transcript-rebuilt; emitter-appended) ---
"""Pipeline reference for scband-lr-14396730376538 (READ-ONLY COPY).

The authoritative reference and input builder live on the scoring server;
editing this copy changes nothing except your own understanding.
"""

import jax, jax.numpy as jnp
import numpy as np

INPUT_DIM = 1000000
NUM_FIELDS = 26
BATCH = 16384


def setup_inputs(seed: int = 0) -> dict:
    key = jax.random.key(seed)
    k_idx, k_w = jax.random.split(key)
    inputs = jax.random.randint(k_idx, (BATCH, NUM_FIELDS), 0, INPUT_DIM, dtype=jnp.int32)
    # LR linear weights: xavier-uniform over [input_dim, 1]
    limit = float(np.sqrt(6.0 / (INPUT_DIM + 1)))
    w = jax.random.uniform(k_w, (INPUT_DIM, 1), minval=-limit, maxval=limit, dtype=jnp.float32)
    b = jnp.zeros((1,), dtype=jnp.float32)
    return {"inputs": inputs, "w": w, "b": b}


def reference(inputs, w, b):
    # embedding_lookup with weight_flag=True: xw = tf.gather(w, inputs) -> [B, F, 1]
    xw = jnp.take(w, inputs, axis=0)
    # LR logits: reduce_sum over fields + bias -> [B, 1]
    logits = jnp.sum(xw, axis=1) + b
    return logits

if __name__ == "__main__":
    import jax
    _d = setup_inputs()
    print(jax.jit(kernel)(*tuple(_d.values())))

</pallas_src>

<mosaic_0001>
#map = affine_map<(d0, d1) -> (0, 0, 0, 0)>
#map1 = affine_map<(d0, d1) -> (0)>
module attributes {stable_mosaic.version = 14 : i64} {
  func.func @_lr_kernel(%arg0: i32, %arg1: i32, %arg2: memref<4x128x8x128xi32, #tpu.memory_space<hbm>>, %arg3: memref<1000448xf32, #tpu.memory_space<hbm>>, %arg4: memref<16xf32, #tpu.memory_space<hbm>>, %arg5: memref<16384xf32, #tpu.memory_space<hbm>>, %arg6: memref<4x4x8x128xi32, #tpu.memory_space<vmem>>, %arg7: memref<13312xf32, #tpu.memory_space<vmem>>, %arg8: memref<512xf32, #tpu.memory_space<vmem>>, %arg9: memref<16xf32, #tpu.memory_space<vmem>>, %arg10: memref<1000448xf32, #tpu.memory_space<vmem_shared>>, %arg11: memref<!tpu.dma_semaphore, #tpu.memory_space<semaphore_mem>>, %arg12: memref<!tpu.dma_semaphore, #tpu.memory_space<semaphore_mem>>) attributes {dimension_semantics = [#tpu.dimension_semantics<core_parallel>, #tpu.dimension_semantics<subcore_parallel>], iteration_bounds = array<i64: 2, 16>, scalar_prefetch = 0 : i64, scratch_operands = 7 : i64, tpu.core_type = #tpu.core_type<sc_vector_subcore>, window_params = [{transform_indices = #map}, {transform_indices = #map1}, {transform_indices = #map1}, {transform_indices = #map1}]} {
    %mul3A = arith.constant 2 : i32
    %mul3A_0 = arith.muli %arg1, %mul3A : i32
    %add3A = arith.addi %mul3A_0, %arg0 : i32
    %mul3A_1 = arith.constant 4 : i32
    %mul3A_2 = arith.muli %add3A, %mul3A_1 : i32
    %mul3A_3 = arith.constant 62528 : i32
    %mul3A_4 = arith.muli %arg1, %mul3A_3 : i32
    %mul3A_5 = arith.constant 62528 : i32
    %mul3A_6 = arith.muli %arg1, %mul3A_5 : i32
    %dma_start3A = tpu.memref_slice %arg10[%mul3A_6] : memref<1000448xf32, #tpu.memory_space<vmem_shared>> -> memref<62528xf32, #tpu.memory_space<vmem_shared>>
    %dma_start3A_7 = tpu.memref_slice %arg3[%mul3A_4] : memref<1000448xf32, #tpu.memory_space<hbm>> -> memref<62528xf32, #tpu.memory_space<hbm>>
    tpu.enqueue_dma source(%dma_start3A_7 : memref<62528xf32, #tpu.memory_space<hbm>>) target(%dma_start3A : memref<62528xf32, #tpu.memory_space<vmem_shared>>) target_semaphore(%arg11 : memref<!tpu.dma_semaphore, #tpu.memory_space<semaphore_mem>>)
    "tpu.region"() ({
      %run_scoped3A = tpu.sem_alloc : memref<!tpu.dma_semaphore, #tpu.memory_space<semaphore_mem>>
      %dma_start3A_31 = arith.constant 0 : i32
      %dma_start3A_32 = arith.constant 0 : i32
      %dma_start3A_33 = arith.constant 0 : i32
      %dma_start3A_34 = tpu.memref_slice %arg2[%dma_start3A_31, %mul3A_2, %dma_start3A_32, %dma_start3A_33] : memref<4x128x8x128xi32, #tpu.memory_space<hbm>> -> memref<4x4x8x128xi32, #tpu.memory_space<hbm>>
      %dma_start3A_35 = arith.constant 0 : i32
      %dma_start3A_36 = arith.constant 0 : i32
      %dma_start3A_37 = arith.constant 0 : i32
      %dma_start3A_38 = tpu.memref_slice %arg2[%dma_start3A_35, %mul3A_2, %dma_start3A_36, %dma_start3A_37] : memref<4x128x8x128xi32, #tpu.memory_space<hbm>> -> memref<4x4x8x128xi32, #tpu.memory_space<hbm>>
      tpu.enqueue_dma source(%dma_start3A_38 : memref<4x4x8x128xi32, #tpu.memory_space<hbm>>) target(%arg6 : memref<4x4x8x128xi32, #tpu.memory_space<vmem>>) target_semaphore(%run_scoped3A : memref<!tpu.dma_semaphore, #tpu.memory_space<semaphore_mem>>)
      %dma_wait3A_39 = arith.constant 0 : i32
      %dma_wait3A_40 = arith.constant 0 : i32
      %dma_wait3A_41 = arith.constant 0 : i32
      %dma_wait3A_42 = tpu.memref_slice %arg2[%dma_wait3A_39, %mul3A_2, %dma_wait3A_40, %dma_wait3A_41] : memref<4x128x8x128xi32, #tpu.memory_space<hbm>> -> memref<4x4x8x128xi32, #tpu.memory_space<hbm>>
      %dma_wait3A_43 = arith.constant 0 : i32
      %dma_wait3A_44 = arith.constant 0 : i32
      %dma_wait3A_45 = arith.constant 0 : i32
      %dma_wait3A_46 = tpu.memref_slice %arg2[%dma_wait3A_43, %mul3A_2, %dma_wait3A_44, %dma_wait3A_45] : memref<4x128x8x128xi32, #tpu.memory_space<hbm>> -> memref<4x4x8x128xi32, #tpu.memory_space<hbm>>
      tpu.wait_dma2 semaphore(%run_scoped3A : memref<!tpu.dma_semaphore, #tpu.memory_space<semaphore_mem>>) src(%dma_wait3A_46 : memref<4x4x8x128xi32, #tpu.memory_space<hbm>>) dst(%arg6 : memref<4x4x8x128xi32, #tpu.memory_space<vmem>>)
      tpu.yield
    }) : () -> ()
    "tpu.region"() ({
      %run_scoped3A = tpu.sem_alloc : memref<!tpu.dma_semaphore, #tpu.memory_space<semaphore_mem>>
      tpu.enqueue_dma source(%arg4 : memref<16xf32, #tpu.memory_space<hbm>>) target(%arg9 : memref<16xf32, #tpu.memory_space<vmem>>) target_semaphore(%run_scoped3A : memref<!tpu.dma_semaphore, #tpu.memory_space<semaphore_mem>>)
      tpu.wait_dma2 semaphore(%run_scoped3A : memref<!tpu.dma_semaphore, #tpu.memory_space<semaphore_mem>>) src(%arg4 : memref<16xf32, #tpu.memory_space<hbm>>) dst(%arg9 : memref<16xf32, #tpu.memory_space<vmem>>)
      tpu.yield
    }) : () -> ()
    %mul3A_8 = arith.constant 62528 : i32
    %mul3A_9 = arith.muli %arg1, %mul3A_8 : i32
    %mul3A_10 = arith.constant 62528 : i32
    %mul3A_11 = arith.muli %arg1, %mul3A_10 : i32
    %dma_wait3A = tpu.memref_slice %arg10[%mul3A_11] : memref<1000448xf32, #tpu.memory_space<vmem_shared>> -> memref<62528xf32, #tpu.memory_space<vmem_shared>>
    %dma_wait3A_12 = tpu.memref_slice %arg3[%mul3A_9] : memref<1000448xf32, #tpu.memory_space<hbm>> -> memref<62528xf32, #tpu.memory_space<hbm>>
    tpu.wait_dma2 semaphore(%arg11 : memref<!tpu.dma_semaphore, #tpu.memory_space<semaphore_mem>>) src(%dma_wait3A_12 : memref<62528xf32, #tpu.memory_space<hbm>>) dst(%dma_wait3A : memref<62528xf32, #tpu.memory_space<vmem_shared>>)
    %barrier3A = arith.constant 0 : index
    tpu.barrier barrier_id(%barrier3A)
    %scan3A = arith.constant 0 : i32
    %scan3A_13 = arith.constant 0 : i32
    %scan3A_14 = arith.constant 26 : i32
    %scan3A_15 = arith.addi %scan3A_13, %scan3A_14 : i32
    %scan3A_16 = arith.constant 1 : i32
    scf.for %scan3A_31 = %scan3A_13 to %scan3A_15 step %scan3A_16  : i32 {
      %jit3A = arith.constant 8 : i32
      %div3A = arith.divsi %scan3A_31, %jit3A : i32
      %sign3A = arith.constant 0 : i32
      %sign3A_32 = arith.cmpi sgt, %scan3A_31, %sign3A : i32
      %sign3A_33 = arith.extui %sign3A_32 : i1 to i32
      %sign3A_34 = arith.constant 0 : i32
      %sign3A_35 = arith.cmpi slt, %scan3A_31, %sign3A_34 : i32
      %sign3A_36 = arith.extui %sign3A_35 : i1 to i32
      %sign3A_37 = arith.subi %sign3A_33, %sign3A_36 : i32
      %sign3A_38 = arith.constant 0 : i32
      %sign3A_39 = arith.cmpi sgt, %jit3A, %sign3A_38 : i32
      %sign3A_40 = arith.extui %sign3A_39 : i1 to i32
      %sign3A_41 = arith.constant 0 : i32
      %sign3A_42 = arith.cmpi slt, %jit3A, %sign3A_41 : i32
      %sign3A_43 = arith.extui %sign3A_42 : i1 to i32
      %sign3A_44 = arith.subi %sign3A_40, %sign3A_43 : i32
      %ne3A = arith.cmpi ne, %sign3A_37, %sign3A_44 : i32
      %rem3A = arith.remsi %scan3A_31, %jit3A : i32
      %ne3A_45 = arith.constant 0 : i32
      %ne3A_46 = arith.cmpi ne, %rem3A, %ne3A_45 : i32
      %and3A = arith.andi %ne3A, %ne3A_46 : i1
      %sub3A = arith.constant 1 : i32
      %sub3A_47 = arith.subi %div3A, %sub3A : i32
      %select_n3A = arith.select %and3A, %sub3A_47, %div3A : i32
      %rem3A_48 = arith.constant 8 : i32
      %rem3A_49 = arith.remsi %scan3A_31, %rem3A_48 : i32
      %mul3A_50 = arith.constant 512 : i32
      %mul3A_51 = arith.muli %scan3A_31, %mul3A_50 : i32
      %add3A_52 = arith.constant 0 : i32
      %add3A_53 = arith.addi %mul3A_51, %add3A_52 : i32
      %dma_start3A_54 = arith.constant 0 : i32
      %dma_start3A_55 = tpu.memref_slice %arg7[%add3A_53] : memref<13312xf32, #tpu.memory_space<vmem>> -> memref<128xf32, #tpu.memory_space<vmem>>
      %dma_start3A_56 = arith.constant 0 : i32
      %dma_start3A_57 = tpu.memref_slice %arg6[%select_n3A, %dma_start3A_54, %rem3A_49, %dma_start3A_56] : memref<4x4x8x128xi32, #tpu.memory_space<vmem>> -> memref<1x1x1x128xi32, #tpu.memory_space<vmem>>
      %dma_start3A_58 = tpu.memref_squeeze %dma_start3A_57 : memref<1x1x1x128xi32, #tpu.memory_space<vmem>> -> memref<128xi32, #tpu.memory_space<vmem>>
      %dma_start3A_59 = arith.constant 0 : i32
      %dma_start3A_60 = tpu.memref_slice %arg10[%dma_start3A_59] : memref<1000448xf32, #tpu.memory_space<vmem_shared>> -> memref<1000448xf32, #tpu.memory_space<vmem_shared>>
      tpu.enqueue_indirect_dma source(%dma_start3A_60 : memref<1000448xf32, #tpu.memory_space<vmem_shared>>) target(%dma_start3A_55 : memref<128xf32, #tpu.memory_space<vmem>>) offsets(%dma_start3A_58 : memref<128xi32, #tpu.memory_space<vmem>>) semaphore(%arg12 : memref<!tpu.dma_semaphore, #tpu.memory_space<semaphore_mem>>)
      %mul3A_61 = arith.constant 512 : i32
      %mul3A_62 = arith.muli %scan3A_31, %mul3A_61 : i32
      %add3A_63 = arith.constant 128 : i32
      %add3A_64 = arith.addi %mul3A_62, %add3A_63 : i32
      %dma_start3A_65 = arith.constant 1 : i32
      %dma_start3A_66 = tpu.memref_slice %arg7[%add3A_64] : memref<13312xf32, #tpu.memory_space<vmem>> -> memref<128xf32, #tpu.memory_space<vmem>>
      %dma_start3A_67 = arith.constant 0 : i32
      %dma_start3A_68 = tpu.memref_slice %arg6[%select_n3A, %dma_start3A_65, %rem3A_49, %dma_start3A_67] : memref<4x4x8x128xi32, #tpu.memory_space<vmem>> -> memref<1x1x1x128xi32, #tpu.memory_space<vmem>>
      %dma_start3A_69 = tpu.memref_squeeze %dma_start3A_68 : memref<1x1x1x128xi32, #tpu.memory_space<vmem>> -> memref<128xi32, #tpu.memory_space<vmem>>
      %dma_start3A_70 = arith.constant 0 : i32
      %dma_start3A_71 = tpu.memref_slice %arg10[%dma_start3A_70] : memref<1000448xf32, #tpu.memory_space<vmem_shared>> -> memref<1000448xf32, #tpu.memory_space<vmem_shared>>
      tpu.enqueue_indirect_dma source(%dma_start3A_71 : memref<1000448xf32, #tpu.memory_space<vmem_shared>>) target(%dma_start3A_66 : memref<128xf32, #tpu.memory_space<vmem>>) offsets(%dma_start3A_69 : memref<128xi32, #tpu.memory_space<vmem>>) semaphore(%arg12 : memref<!tpu.dma_semaphore, #tpu.memory_space<semaphore_mem>>)
      %mul3A_72 = arith.constant 512 : i32
      %mul3A_73 = arith.muli %scan3A_31, %mul3A_72 : i32
      %add3A_74 = arith.constant 256 : i32
      %add3A_75 = arith.addi %mul3A_73, %add3A_74 : i32
      %dma_start3A_76 = arith.constant 2 : i32
      %dma_start3A_77 = tpu.memref_slice %arg7[%add3A_75] : memref<13312xf32, #tpu.memory_space<vmem>> -> memref<128xf32, #tpu.memory_space<vmem>>
      %dma_start3A_78 = arith.constant 0 : i32
      %dma_start3A_79 = tpu.memref_slice %arg6[%select_n3A, %dma_start3A_76, %rem3A_49, %dma_start3A_78] : memref<4x4x8x128xi32, #tpu.memory_space<vmem>> -> memref<1x1x1x128xi32, #tpu.memory_space<vmem>>
      %dma_start3A_80 = tpu.memref_squeeze %dma_start3A_79 : memref<1x1x1x128xi32, #tpu.memory_space<vmem>> -> memref<128xi32, #tpu.memory_space<vmem>>
      %dma_start3A_81 = arith.constant 0 : i32
      %dma_start3A_82 = tpu.memref_slice %arg10[%dma_start3A_81] : memref<1000448xf32, #tpu.memory_space<vmem_shared>> -> memref<1000448xf32, #tpu.memory_space<vmem_shared>>
      tpu.enqueue_indirect_dma source(%dma_start3A_82 : memref<1000448xf32, #tpu.memory_space<vmem_shared>>) target(%dma_start3A_77 : memref<128xf32, #tpu.memory_space<vmem>>) offsets(%dma_start3A_80 : memref<128xi32, #tpu.memory_space<vmem>>) semaphore(%arg12 : memref<!tpu.dma_semaphore, #tpu.memory_space<semaphore_mem>>)
      %mul3A_83 = arith.constant 512 : i32
      %mul3A_84 = arith.muli %scan3A_31, %mul3A_83 : i32
      %add3A_85 = arith.constant 384 : i32
      %add3A_86 = arith.addi %mul3A_84, %add3A_85 : i32
      %dma_start3A_87 = arith.constant 3 : i32
      %dma_start3A_88 = tpu.memref_slice %arg7[%add3A_86] : memref<13312xf32, #tpu.memory_space<vmem>> -> memref<128xf32, #tpu.memory_space<vmem>>
      %dma_start3A_89 = arith.constant 0 : i32
      %dma_start3A_90 = tpu.memref_slice %arg6[%select_n3A, %dma_start3A_87, %rem3A_49, %dma_start3A_89] : memref<4x4x8x128xi32, #tpu.memory_space<vmem>> -> memref<1x1x1x128xi32, #tpu.memory_space<vmem>>
      %dma_start3A_91 = tpu.memref_squeeze %dma_start3A_90 : memref<1x1x1x128xi32, #tpu.memory_space<vmem>> -> memref<128xi32, #tpu.memory_space<vmem>>
      %dma_start3A_92 = arith.constant 0 : i32
      %dma_start3A_93 = tpu.memref_slice %arg10[%dma_start3A_92] : memref<1000448xf32, #tpu.memory_space<vmem_shared>> -> memref<1000448xf32, #tpu.memory_space<vmem_shared>>
      tpu.enqueue_indirect_dma source(%dma_start3A_93 : memref<1000448xf32, #tpu.memory_space<vmem_shared>>) target(%dma_start3A_88 : memref<128xf32, #tpu.memory_space<vmem>>) offsets(%dma_start3A_91 : memref<128xi32, #tpu.memory_space<vmem>>) semaphore(%arg12 : memref<!tpu.dma_semaphore, #tpu.memory_space<semaphore_mem>>)
    }
    %scan3A_17 = arith.constant 26 : i32
    %dma_wait3A_18 = arith.constant 0 : i32
    %dma_wait3A_19 = tpu.memref_slice %arg3[%dma_wait3A_18] : memref<1000448xf32, #tpu.memory_space<hbm>> -> memref<13312xf32, #tpu.memory_space<hbm>>
    %dma_wait3A_20 = arith.constant 0 : i32
    %dma_wait3A_21 = tpu.memref_slice %arg3[%dma_wait3A_20] : memref<1000448xf32, #tpu.memory_space<hbm>> -> memref<13312xf32, #tpu.memory_space<hbm>>
    tpu.wait_dma2 semaphore(%arg12 : memref<!tpu.dma_semaphore, #tpu.memory_space<semaphore_mem>>) src(%dma_wait3A_21 : memref<13312xf32, #tpu.memory_space<hbm>>) dst(%arg7 : memref<13312xf32, #tpu.memory_space<vmem>>)
    %get3A = arith.constant 0 : index
    %get3A_22 = tpu.vector_load %arg9[%get3A] {strides = array<i32>} : memref<16xf32, #tpu.memory_space<vmem>>, vector<16xf32>,
    %scan3A_23 = arith.constant 0 : i32
    %scan3A_24 = arith.constant 0 : i32
    %scan3A_25 = arith.constant 32 : i32
    %scan3A_26 = arith.addi %scan3A_24, %scan3A_25 : i32
    %scan3A_27 = arith.constant 1 : i32
    scf.for %scan3A_31 = %scan3A_24 to %scan3A_26 step %scan3A_27  : i32 {
      %mul3A_32 = arith.constant 16 : i32
      %mul3A_33 = arith.muli %scan3A_31, %mul3A_32 : i32
      %add3A_34 = arith.constant 0 : i32
      %add3A_35 = arith.addi %add3A_34, %mul3A_33 : i32
      %get3A_36 = arith.index_cast %add3A_35 : i32 to index
      %get3A_37 = tpu.vector_load %arg7[%get3A_36] {strides = array<i32>} : memref<13312xf32, #tpu.memory_space<vmem>>, vector<16xf32>,
      %add3A_38 = arith.addf %get3A_22, %get3A_37 : vector<16xf32>
      %mul3A_39 = arith.constant 16 : i32
      %mul3A_40 = arith.muli %scan3A_31, %mul3A_39 : i32
      %add3A_41 = arith.constant 512 : i32
      %add3A_42 = arith.addi %add3A_41, %mul3A_40 : i32
      %get3A_43 = arith.index_cast %add3A_42 : i32 to index
      %get3A_44 = tpu.vector_load %arg7[%get3A_43] {strides = array<i32>} : memref<13312xf32, #tpu.memory_space<vmem>>, vector<16xf32>,
      %mul3A_45 = arith.constant 16 : i32
      %mul3A_46 = arith.muli %scan3A_31, %mul3A_45 : i32
      %add3A_47 = arith.constant 1024 : i32
      %add3A_48 = arith.addi %add3A_47, %mul3A_46 : i32
      %get3A_49 = arith.index_cast %add3A_48 : i32 to index
      %get3A_50 = tpu.vector_load %arg7[%get3A_49] {strides = array<i32>} : memref<13312xf32, #tpu.memory_space<vmem>>, vector<16xf32>,
      %add3A_51 = arith.addf %add3A_38, %get3A_50 : vector<16xf32>
      %mul3A_52 = arith.constant 16 : i32
      %mul3A_53 = arith.muli %scan3A_31, %mul3A_52 : i32
      %add3A_54 = arith.constant 1536 : i32
      %add3A_55 = arith.addi %add3A_54, %mul3A_53 : i32
      %get3A_56 = arith.index_cast %add3A_55 : i32 to index
      %get3A_57 = tpu.vector_load %arg7[%get3A_56] {strides = array<i32>} : memref<13312xf32, #tpu.memory_space<vmem>>, vector<16xf32>,
      %add3A_58 = arith.addf %get3A_44, %get3A_57 : vector<16xf32>
      %mul3A_59 = arith.constant 16 : i32
      %mul3A_60 = arith.muli %scan3A_31, %mul3A_59 : i32
      %add3A_61 = arith.constant 2048 : i32
      %add3A_62 = arith.addi %add3A_61, %mul3A_60 : i32
      %get3A_63 = arith.index_cast %add3A_62 : i32 to index
      %get3A_64 = tpu.vector_load %arg7[%get3A_63] {strides = array<i32>} : memref<13312xf32, #tpu.memory_space<vmem>>, vector<16xf32>,
      %add3A_65 = arith.addf %add3A_51, %get3A_64 : vector<16xf32>
      %mul3A_66 = arith.constant 16 : i32
      %mul3A_67 = arith.muli %scan3A_31, %mul3A_66 : i32
      %add3A_68 = arith.constant 2560 : i32
      %add3A_69 = arith.addi %add3A_68, %mul3A_67 : i32
      %get3A_70 = arith.index_cast %add3A_69 : i32 to index
      %get3A_71 = tpu.vector_load %arg7[%get3A_70] {strides = array<i32>} : memref<13312xf32, #tpu.memory_space<vmem>>, vector<16xf32>,
      %add3A_72 = arith.addf %add3A_58, %get3A_71 : vector<16xf32>
      %mul3A_73 = arith.constant 16 : i32
      %mul3A_74 = arith.muli %scan3A_31, %mul3A_73 : i32
      %add3A_75 = arith.constant 3072 : i32
      %add3A_76 = arith.addi %add3A_75, %mul3A_74 : i32
      %get3A_77 = arith.index_cast %add3A_76 : i32 to index
      %get3A_78 = tpu.vector_load %arg7[%get3A_77] {strides = array<i32>} : memref<13312xf32, #tpu.memory_space<vmem>>, vector<16xf32>,
      %add3A_79 = arith.addf %add3A_65, %get3A_78 : vector<16xf32>
      %mul3A_80 = arith.constant 16 : i32
      %mul3A_81 = arith.muli %scan3A_31, %mul3A_80 : i32
      %add3A_82 = arith.constant 3584 : i32
      %add3A_83 = arith.addi %add3A_82, %mul3A_81 : i32
      %get3A_84 = arith.index_cast %add3A_83 : i32 to index
      %get3A_85 = tpu.vector_load %arg7[%get3A_84] {strides = array<i32>} : memref<13312xf32, #tpu.memory_space<vmem>>, vector<16xf32>,
      %add3A_86 = arith.addf %add3A_72, %get3A_85 : vector<16xf32>
      %mul3A_87 = arith.constant 16 : i32
      %mul3A_88 = arith.muli %scan3A_31, %mul3A_87 : i32
      %add3A_89 = arith.constant 4096 : i32
      %add3A_90 = arith.addi %add3A_89, %mul3A_88 : i32
      %get3A_91 = arith.index_cast %add3A_90 : i32 to index
      %get3A_92 = tpu.vector_load %arg7[%get3A_91] {strides = array<i32>} : memref<13312xf32, #tpu.memory_space<vmem>>, vector<16xf32>,
      %add3A_93 = arith.addf %add3A_79, %get3A_92 : vector<16xf32>
      %mul3A_94 = arith.constant 16 : i32
      %mul3A_95 = arith.muli %scan3A_31, %mul3A_94 : i32
      %add3A_96 = arith.constant 4608 : i32
      %add3A_97 = arith.addi %add3A_96, %mul3A_95 : i32
      %get3A_98 = arith.index_cast %add3A_97 : i32 to index
      %get3A_99 = tpu.vector_load %arg7[%get3A_98] {strides = array<i32>} : memref<13312xf32, #tpu.memory_space<vmem>>, vector<16xf32>,
      %add3A_100 = arith.addf %add3A_86, %get3A_99 : vector<16xf32>
      %mul3A_101 = arith.constant 16 : i32
      %mul3A_102 = arith.muli %scan3A_31, %mul3A_101 : i32
      %add3A_103 = arith.constant 5120 : i32
      %add3A_104 = arith.addi %add3A_103, %mul3A_102 : i32
      %get3A_105 = arith.index_cast %add3A_104 : i32 to index
      %get3A_106 = tpu.vector_load %arg7[%get3A_105] {strides = array<i32>} : memref<13312xf32, #tpu.memory_space<vmem>>, vector<16xf32>,
      %add3A_107 = arith.addf %add3A_93, %get3A_106 : vector<16xf32>
      %mul3A_108 = arith.constant 16 : i32
      %mul3A_109 = arith.muli %scan3A_31, %mul3A_108 : i32
      %add3A_110 = arith.constant 5632 : i32
      %add3A_111 = arith.addi %add3A_110, %mul3A_109 : i32
      %get3A_112 = arith.index_cast %add3A_111 : i32 to index
      %get3A_113 = tpu.vector_load %arg7[%get3A_112] {strides = array<i32>} : memref<13312xf32, #tpu.memory_space<vmem>>, vector<16xf32>,
      %add3A_114 = arith.addf %add3A_100, %get3A_113 : vector<16xf32>
      %mul3A_115 = arith.constant 16 : i32
      %mul3A_116 = arith.muli %scan3A_31, %mul3A_115 : i32
      %add3A_117 = arith.constant 6144 : i32
      %add3A_118 = arith.addi %add3A_117, %mul3A_116 : i32
      %get3A_119 = arith.index_cast %add3A_118 : i32 to index
      %get3A_120 = tpu.vector_load %arg7[%get3A_119] {strides = array<i32>} : memref<13312xf32, #tpu.memory_space<vmem>>, vector<16xf32>,
      %add3A_121 = arith.addf %add3A_107, %get3A_120 : vector<16xf32>
      %mul3A_122 = arith.constant 16 : i32
      %mul3A_123 = arith.muli %scan3A_31, %mul3A_122 : i32
      %add3A_124 = arith.constant 6656 : i32
      %add3A_125 = arith.addi %add3A_124, %mul3A_123 : i32
      %get3A_126 = arith.index_cast %add3A_125 : i32 to index
      %get3A_127 = tpu.vector_load %arg7[%get3A_126] {strides = array<i32>} : memref<13312xf32, #tpu.memory_space<vmem>>, vector<16xf32>,
      %add3A_128 = arith.addf %add3A_114, %get3A_127 : vector<16xf32>
      %mul3A_129 = arith.constant 16 : i32
      %mul3A_130 = arith.muli %scan3A_31, %mul3A_129 : i32
      %add3A_131 = arith.constant 7168 : i32
      %add3A_132 = arith.addi %add3A_131, %mul3A_130 : i32
      %get3A_133 = arith.index_cast %add3A_132 : i32 to index
      %get3A_134 = tpu.vector_load %arg7[%get3A_133] {strides = array<i32>} : memref<13312xf32, #tpu.memory_space<vmem>>, vector<16xf32>,
      %add3A_135 = arith.addf %add3A_121, %get3A_134 : vector<16xf32>
      %mul3A_136 = arith.constant 16 : i32
      %mul3A_137 = arith.muli %scan3A_31, %mul3A_136 : i32
      %add3A_138 = arith.constant 7680 : i32
      %add3A_139 = arith.addi %add3A_138, %mul3A_137 : i32
      %get3A_140 = arith.index_cast %add3A_139 : i32 to index
      %get3A_141 = tpu.vector_load %arg7[%get3A_140] {strides = array<i32>} : memref<13312xf32, #tpu.memory_space<vmem>>, vector<16xf32>,
      %add3A_142 = arith.addf %add3A_128, %get3A_141 : vector<16xf32>
      %mul3A_143 = arith.constant 16 : i32
      %mul3A_144 = arith.muli %scan3A_31, %mul3A_143 : i32
      %add3A_145 = arith.constant 8192 : i32
      %add3A_146 = arith.addi %add3A_145, %mul3A_144 : i32
      %get3A_147 = arith.index_cast %add3A_146 : i32 to index
      %get3A_148 = tpu.vector_load %arg7[%get3A_147] {strides = array<i32>} : memref<13312xf32, #tpu.memory_space<vmem>>, vector<16xf32>,
      %add3A_149 = arith.addf %add3A_135, %get3A_148 : vector<16xf32>
      %mul3A_150 = arith.constant 16 : i32
      %mul3A_151 = arith.muli %scan3A_31, %mul3A_150 : i32
      %add3A_152 = arith.constant 8704 : i32
      %add3A_153 = arith.addi %add3A_152, %mul3A_151 : i32
      %get3A_154 = arith.index_cast %add3A_153 : i32 to index
      %get3A_155 = tpu.vector_load %arg7[%get3A_154] {strides = array<i32>} : memref<13312xf32, #tpu.memory_space<vmem>>, vector<16xf32>,
      %add3A_156 = arith.addf %add3A_142, %get3A_155 : vector<16xf32>
      %mul3A_157 = arith.constant 16 : i32
      %mul3A_158 = arith.muli %scan3A_31, %mul3A_157 : i32
      %add3A_159 = arith.constant 9216 : i32
      %add3A_160 = arith.addi %add3A_159, %mul3A_158 : i32
      %get3A_161 = arith.index_cast %add3A_160 : i32 to index
      %get3A_162 = tpu.vector_load %arg7[%get3A_161] {strides = array<i32>} : memref<13312xf32, #tpu.memory_space<vmem>>, vector<16xf32>,
      %add3A_163 = arith.addf %add3A_149, %get3A_162 : vector<16xf32>
      %mul3A_164 = arith.constant 16 : i32
      %mul3A_165 = arith.muli %scan3A_31, %mul3A_164 : i32
      %add3A_166 = arith.constant 9728 : i32
      %add3A_167 = arith.addi %add3A_166, %mul3A_165 : i32
      %get3A_168 = arith.index_cast %add3A_167 : i32 to index
      %get3A_169 = tpu.vector_load %arg7[%get3A_168] {strides = array<i32>} : memref<13312xf32, #tpu.memory_space<vmem>>, vector<16xf32>,
      %add3A_170 = arith.addf %add3A_156, %get3A_169 : vector<16xf32>
      %mul3A_171 = arith.constant 16 : i32
      %mul3A_172 = arith.muli %scan3A_31, %mul3A_171 : i32
      %add3A_173 = arith.constant 10240 : i32
      %add3A_174 = arith.addi %add3A_173, %mul3A_172 : i32
      %get3A_175 = arith.index_cast %add3A_174 : i32 to index
      %get3A_176 = tpu.vector_load %arg7[%get3A_175] {strides = array<i32>} : memref<13312xf32, #tpu.memory_space<vmem>>, vector<16xf32>,
      %add3A_177 = arith.addf %add3A_163, %get3A_176 : vector<16xf32>
      %mul3A_178 = arith.constant 16 : i32
      %mul3A_179 = arith.muli %scan3A_31, %mul3A_178 : i32
      %add3A_180 = arith.constant 10752 : i32
      %add3A_181 = arith.addi %add3A_180, %mul3A_179 : i32
      %get3A_182 = arith.index_cast %add3A_181 : i32 to index
      %get3A_183 = tpu.vector_load %arg7[%get3A_182] {strides = array<i32>} : memref<13312xf32, #tpu.memory_space<vmem>>, vector<16xf32>,
      %add3A_184 = arith.addf %add3A_170, %get3A_183 : vector<16xf32>
      %mul3A_185 = arith.constant 16 : i32
      %mul3A_186 = arith.muli %scan3A_31, %mul3A_185 : i32
      %add3A_187 = arith.constant 11264 : i32
      %add3A_188 = arith.addi %add3A_187, %mul3A_186 : i32
      %get3A_189 = arith.index_cast %add3A_188 : i32 to index
      %get3A_190 = tpu.vector_load %arg7[%get3A_189] {strides = array<i32>} : memref<13312xf32, #tpu.memory_space<vmem>>, vector<16xf32>,
      %add3A_191 = arith.addf %add3A_177, %get3A_190 : vector<16xf32>
      %mul3A_192 = arith.constant 16 : i32
      %mul3A_193 = arith.muli %scan3A_31, %mul3A_192 : i32
      %add3A_194 = arith.constant 11776 : i32
      %add3A_195 = arith.addi %add3A_194, %mul3A_193 : i32
      %get3A_196 = arith.index_cast %add3A_195 : i32 to index
      %get3A_197 = tpu.vector_load %arg7[%get3A_196] {strides = array<i32>} : memref<13312xf32, #tpu.memory_space<vmem>>, vector<16xf32>,
      %add3A_198 = arith.addf %add3A_184, %get3A_197 : vector<16xf32>
      %mul3A_199 = arith.constant 16 : i32
      %mul3A_200 = arith.muli %scan3A_31, %mul3A_199 : i32
      %add3A_201 = arith.constant 12288 : i32
      %add3A_202 = arith.addi %add3A_201, %mul3A_200 : i32
      %get3A_203 = arith.index_cast %add3A_202 : i32 to index
      %get3A_204 = tpu.vector_load %arg7[%get3A_203] {strides = array<i32>} : memref<13312xf32, #tpu.memory_space<vmem>>, vector<16xf32>,
      %add3A_205 = arith.addf %add3A_191, %get3A_204 : vector<16xf32>
      %mul3A_206 = arith.constant 16 : i32
      %mul3A_207 = arith.muli %scan3A_31, %mul3A_206 : i32
      %add3A_208 = arith.constant 12800 : i32
      %add3A_209 = arith.addi %add3A_208, %mul3A_207 : i32
      %get3A_210 = arith.index_cast %add3A_209 : i32 to index
      %get3A_211 = tpu.vector_load %arg7[%get3A_210] {strides = array<i32>} : memref<13312xf32, #tpu.memory_space<vmem>>, vector<16xf32>,
      %add3A_212 = arith.addf %add3A_198, %get3A_211 : vector<16xf32>
      %add3A_213 = arith.addf %add3A_205, %add3A_212 : vector<16xf32>
      %mul3A_214 = arith.constant 16 : i32
      %mul3A_215 = arith.muli %scan3A_31, %mul3A_214 : i32
      %swap3A = arith.index_cast %mul3A_215 : i32 to index
      %swap3A_216 = tpu.vector_load %arg8[%swap3A] {strides = array<i32>} : memref<512xf32, #tpu.memory_space<vmem>>, vector<16xf32>,
      tpu.vector_store %arg8[%swap3A], %add3A_213 {strides = array<i32>} : memref<512xf32, #tpu.memory_space<vmem>>, vector<16xf32>,
    }
    %scan3A_28 = arith.constant 32 : i32
    %mul3A_29 = arith.constant 512 : i32
    %mul3A_30 = arith.muli %add3A, %mul3A_29 : i32
    "tpu.region"() ({
      %run_scoped3A = tpu.sem_alloc : memref<!tpu.dma_semaphore, #tpu.memory_space<semaphore_mem>>
      %dma_start3A_31 = tpu.memref_slice %arg5[%mul3A_30] : memref<16384xf32, #tpu.memory_space<hbm>> -> memref<512xf32, #tpu.memory_space<hbm>>
      %dma_start3A_32 = tpu.memref_slice %arg5[%mul3A_30] : memref<16384xf32, #tpu.memory_space<hbm>> -> memref<512xf32, #tpu.memory_space<hbm>>
      tpu.enqueue_dma source(%arg8 : memref<512xf32, #tpu.memory_space<vmem>>) target(%dma_start3A_32 : memref<512xf32, #tpu.memory_space<hbm>>) target_semaphore(%run_scoped3A : memref<!tpu.dma_semaphore, #tpu.memory_space<semaphore_mem>>)
      %dma_wait3A_33 = tpu.memref_slice %arg5[%mul3A_30] : memref<16384xf32, #tpu.memory_space<hbm>> -> memref<512xf32, #tpu.memory_space<hbm>>
      %dma_wait3A_34 = tpu.memref_slice %arg5[%mul3A_30] : memref<16384xf32, #tpu.memory_space<hbm>> -> memref<512xf32, #tpu.memory_space<hbm>>
      tpu.wait_dma2 semaphore(%run_scoped3A : memref<!tpu.dma_semaphore, #tpu.memory_space<semaphore_mem>>) src(%arg8 : memref<512xf32, #tpu.memory_space<vmem>>) dst(%dma_wait3A_34 : memref<512xf32, #tpu.memory_space<hbm>>)
      tpu.yield
    }) : () -> ()
    return
  }
}

</mosaic_0001>

<sc_bundles>
// kernel: kernel.3.cloned.1.call-start
scs
__scs_entry_jumppad:
0x0: {  	(pc) =	sbr.rel $0x88, $3  }
0x1: {  	(tag) =	ssettag $0x0;
	lr =	simm.s32 $0x1  }
0x2: {  	[smem:$0x3F9E] =	sst lr;
	_ =	strace $0xD0000000  }
0x3: {  	_ = 	snop  }
0x4: {  	_ = 	snop  }
0x5: {  	_ = 	snop  }
0x6: {  	_ = 	snop  }
0x7: {  	_ = 	snop  }
__scs_overlays_trampoline_lowered:
0x8: {  	[smem:$0x3FAD] =	sst s0  }
0x9: {  	[smem:$0x3FAE] =	sst s1  }
0xa: {  	[smem:$0x3FAF] =	sst s2  }
0xb: {  	[smem:$0x3FB0] =	sst s3  }
0xc: {  	[smem:$0x3FB1] =	sst s4  }
0xd: {  	[smem:$0x3FB2] =	sst s5  }
0xe: {  	[smem:$0x3FB3] =	sst s6  }
0xf: {  	[smem:$0x3FB4] =	sst s7  }
0x10: {  	[smem:$0x3FB5] =	sst s8  }
0x11: {  	[smem:$0x3FB6] =	sst s9;
	s0 =	simm.s32 @!p0 $0x0  }
0x12: {  	s1 =	sld [smem:$0x3F9C];
	s0 =	simm.s32 @p0 $0x1  }
0x13: {  	[smem:$0x3FB7] =	sst s0;
	s0 =	simm.s32 @!p1 $0x0  }
0x14: {  	s2 =	sld [smem:$0x3F9B];
	s0 =	simm.s32 @p1 $0x1  }
0x15: {  	[smem:$0x3FB8] =	sst s0;
	s0 =	simm.s32 @!p2 $0x0  }
0x16: {  	s3 =	sld [smem:$0x3FDB];
	s0 =	simm.s32 @p2 $0x1  }
0x17: {  	s4 =	simm.s32 $0x1BF5;
	[smem:$0x3FBA] =	sst s0  }
0x18: {  	s0 =	sld [smem:$0x3F9D];
	_ =	swait.ge [sflag:s4], $0x0  }
0x19: {  	s7 =	sld [smem:$0x3F9E]  }
0x1a: {  	s8 =	sadd.s32 $0xFFFFE003, lr  }
0x1b: {  	s9 =	sadd.s32 $0xFFFFFEF7, lr;
	s5 =	simm.s32 $0xFFFFFFFF;
	p2 =	slt.u32 s8, $0xFFFFF086  }
0x1c: {  	p1 =	slt.u32 s9, $0xF7A;
	s5 =	simm.s32 @!p2 $0x0  }
0x1d: {  	s5 =	simm.s32 @p1 $0x1;
	p0 =	seq.s32 s7, s2  }
0x1e: {  	s7 =	smul.u32 @!p0 $0xF7A, s2;
	p2 =	seq.s32 @!p0 s5, $0x0  }
0x1f: {  	s9 =	smul.u32 $0xF7A, s1;
	s8 =	simm.s32 @!p0 $0x1BF5;
	p2 =	por !p2, p0  }
0x20: {  	[sflag:s8] =	ssyncset.s32 @!p0 $0xFFFFF086;
	s6 =	sadd.s32 @!p0 s3, s7;
	s7 =	simm.s32 @!p0 $0x108  }
0x21: {  	s3 =	sadd.s32 s3, s9;
	s6 =	sadd.s32 @!p0 $0x88, s6;
	s7 =	simm.s32 @p2 $0x1082  }
0x22: {  	[simem:s7], [sflag:s8] =	dma.local @!p0 [hbm:s6], $0xF7A  }
0x23: {  	s9 =	sor.u32 $0xD0000000, s2;
	s6 =	simm.s32 $0x108;
	_ =	swait.ge @!p0 [sflag:s8], $0x0  }
0x24: {  	s3 =	sadd.s32 $0x88, s3;
	s6 =	simm.s32 @!p1 $0x1082;
	[sflag:s4] =	ssyncset.s32 $0xFFFFF086  }
0x25: {  	[simem:s6], [sflag:s4] =	dma.local [hbm:s3], $0xF7A  }
0x26: {  	[smem:$0x3F9E] =	sst s1;
	(tag) =	ssettag s2;
	_ =	strace s9  }
0x27: {  	s1 =	sld [smem:$0x3FAE]  }
0x28: {  	s2 =	sld [smem:$0x3FAF]  }
0x29: {  	s4 =	sld [smem:$0x3FB1]  }
0x2a: {  	p0 =	seq.s32 s5, $0x0;
	s5 =	sld [smem:$0x3FB2]  }
0x2b: {  	s6 =	sld [smem:$0x3FB3]  }
0x2c: {  	s7 =	sld [smem:$0x3FB4]  }
0x2d: {  	s3 =	simm.s32 $0x108;
	s8 =	sld [smem:$0x3FB5]  }
0x2e: {  	s3 =	simm.s32 @!p0 $0x1082;
	s9 =	sld [smem:$0x3FB6]  }
0x2f: {  	lr =	sadd.s32 s0, s3;
	s0 =	sld [smem:$0x3FAD]  }
0x30: {  	s3 =	sld [smem:$0x3FB0]  }
0x31: {  	[smem:$0x3FB9] =	sst s10  }
0x32: {  	s10 =	sld [smem:$0x3FB7];
	_ =	sdelay $0x3  }
0x33: {  	p0 =	seq.s32 s10, $0x1;
	s10 =	sld [smem:$0x3FB9];
	_ =	sdelay $0x3  }
0x34: {  	[smem:$0x3FB9] =	sst s10  }
0x35: {  	s10 =	sld [smem:$0x3FB8];
	_ =	sdelay $0x3  }
0x36: {  	p1 =	seq.s32 s10, $0x1;
	s10 =	sld [smem:$0x3FB9];
	_ =	sdelay $0x3  }
0x37: {  	[smem:$0x3FB9] =	sst s10  }
0x38: {  	s10 =	sld [smem:$0x3FBA]  }
0x39: {  	_ = 	snop;
	(pc) =	sbr.ind lr, $3  }
0x3a: {  	_ = 	snop  }
0x3b: {  	_ = 	snop  }
0x3c: {  	p2 =	seq.s32 s10, $0x1;
	s10 =	sld [smem:$0x3FB9]  }
0x3d: {  	_ =	shalt  }
0x3e: {  	_ =	shalt  }
0x3f: {  	_ =	shalt  }
0x40: {  	_ =	shalt  }
0x41: {  	_ =	shalt  }
0x42: {  	_ =	shalt  }
0x43: {  	_ =	shalt  }
0x44: {  	_ =	shalt  }
0x45: {  	_ =	shalt  }
0x46: {  	_ =	shalt  }
0x47: {  	_ =	shalt  }
0x48: {  	_ =	shalt  }
0x49: {  	_ =	shalt  }
0x4a: {  	_ =	shalt  }
0x4b: {  	_ =	shalt  }
0x4c: {  	_ =	shalt  }
0x4d: {  	_ =	shalt  }
0x4e: {  	_ =	shalt  }
0x4f: {  	_ =	shalt  }
0x50: {  	_ =	shalt  }
0x51: {  	_ =	shalt  }
0x52: {  	_ =	shalt  }
0x53: {  	_ =	shalt  }
0x54: {  	_ =	shalt  }
0x55: {  	_ =	shalt  }
0x56: {  	_ =	shalt  }
0x57: {  	_ =	shalt  }
0x58: {  	_ =	shalt  }
0x59: {  	_ =	shalt  }
0x5a: {  	_ =	shalt  }
0x5b: {  	_ =	shalt  }
0x5c: {  	_ =	shalt  }
0x5d: {  	_ =	shalt  }
0x5e: {  	_ =	shalt  }
0x5f: {  	_ =	shalt  }
0x60: {  	_ =	shalt  }
0x61: {  	_ =	shalt  }
0x62: {  	_ =	shalt  }
0x63: {  	_ =	shalt  }
0x64: {  	_ =	shalt  }
0x65: {  	_ =	shalt  }
0x66: {  	_ =	shalt  }
0x67: {  	_ =	shalt  }
0x68: {  	_ =	shalt  }
0x69: {  	_ =	shalt  }
0x6a: {  	_ =	shalt  }
0x6b: {  	_ =	shalt  }
0x6c: {  	_ =	shalt  }
0x6d: {  	_ =	shalt  }
0x6e: {  	_ =	shalt  }
0x6f: {  	_ =	shalt  }
0x70: {  	_ =	shalt  }
0x71: {  	_ =	shalt  }
0x72: {  	_ =	shalt  }
0x73: {  	_ =	shalt  }
0x74: {  	_ =	shalt  }
0x75: {  	_ =	shalt  }
0x76: {  	_ =	shalt  }
0x77: {  	_ =	shalt  }
0x78: {  	_ =	shalt  }
0x79: {  	_ =	shalt  }
0x7a: {  	_ =	shalt  }
0x7b: {  	_ =	shalt  }
0x7c: {  	_ =	shalt  }
0x7d: {  	_ =	shalt  }
0x7e: {  	_ =	shalt  }
0x7f: {  	_ =	shalt  }
0x80: {  	_ =	shalt  }
0x81: {  	_ =	shalt  }
0x82: {  	_ =	shalt  }
0x83: {  	_ =	shalt  }
0x84: {  	_ =	shalt  }
0x85: {  	_ =	shalt  }
0x86: {  	_ =	shalt  }
0x87: {  	_ =	shalt  }
.Lfunc_end0:
.L_simem_size_0:
called_computation_lowered:
.L_overlay_start_0:
0x88: {  	s2 =	sld [smem:$0x3FD9]  }
0x89: {  	s3 =	sld [smem:$0x3FFE];
	_ =	sdelay $0x1  }
0x8a: {  	s1 =	srdreg.scid  }
0x8b: {  	s0 =	sand.u32 $0x1, s1  }
0x8c: {  	s17 =	sshll.u32 s0, $0xA;
	s2 =	sadd.s32 s3, s2  }
0x8d: {  	s2 =	sadd.s32 s2, s17  }
0x8e: {  	[smem:$0x3FC5] =	sst s2  }
0x8f: {  	_ = 	snop  }
0x90: {  	s2 =	sld [smem:$0x3FD0];
	(tm) =	ssettm $0x1  }
0x91: {  	s18 =	sld [smem:$0x3FFB];
	_ =	sdelay $0x3  }
0x92: {  	_ =	strace s18  }
0x93: {  	s3 =	sld [smem:$0x3FFC];
	_ =	sdelay $0x3  }
0x94: {  	_ =	strace s3  }
0x95: {  	s3 =	sld [smem:$0x3FFD];
	_ =	sdelay $0x3  }
0x96: {  	_ =	strace s3  }
0x97: {  	_ =	strace $0x8FFFFFFF  }
0x98: {  	s19 =	sld [smem:$0x3FDB];
	_ =	sdelay $0x1  }
0x99: {  	s4 =	simm.s32 $_scs_section_size  }
0x9a: {  	s5 =	simm.s32 $_size__tile_overlayer_lowered;
	s6 =	simm.s32 $_tile_overlayer_lowered  }
0x9b: {  	s22 =	simm.s32 $0x1BFF;
	s21 =	sshll.u32 s6, $0x1;
	s3 =	sadd.s32 s4, s19  }
0x9c: {  	s7 =	simm.s32 $0x0;
	s20 =	sshll.u32 s5, $0x1;
	s5 =	sadd.s32 s21, s3  }
0x9d: {  	[timem:s7], [sflag:s22] =	dma.local [hbm:s5], s20  }
0x9e: {  	_ =	swait.ge [sflag:s22], s20  }
0x9f: {  	s4 =	ssub.s32 $0x0, s20;
	[sflag:s22] =	ssyncset.done $0x0  }
0xa0: {  	[sflag:s22] =	ssyncadd.s32 s4;
	_ =	sdelay $0x1  }
0xa1: {  	s23 =	simm.s32 $0x1B8B  }
0xa2: {  	_ =	swait.ge [sflag:s23], $0x1  }
0xa3: {  	[sflag:s23] =	ssyncset.done $0x0  }
0xa4: {  	s25 =	simm.s32 $0x1B8E;
	s24 =	sld [smem:$0x3FFE];
	[sflag:s23] =	ssyncadd.s32 $0xFFFFFFFF  }
0xa5: {  	s26 =	simm.s32 $execute0_lowered;
	[smem:$0x3FD2] =	sst s25  }
0xa6: {  	s5 =	sshll.u32 s26, $0x1;
	_ =	strace $0x80000046;
	[dreg:$0x1] =	wrdreg $0xFFFFFFFF  }
0xa7: {  	s28 =	simm.s32 $_size_execute0_lowered;
	s3 =	sadd.s32 s3, s5;
	[dreg:$0x0] =	wrdreg $0x0  }
0xa8: {  	s5 =	sshll.u32 s28, $0x1;
	[dreg:$0x2] =	wrdreg s3  }
0xa9: {  	[dreg:$0x3] =	wrdreg s5  }
0xaa: {  	[dreg:$0x4] =	wrdreg $0xC0  }
0xab: {  	_ =	task [dreg:s7], $0x5FFFF  }
0xac: {  	[dreg:$0x1] =	wrdreg $0xFFFFFFFF  }
0xad: {  	[dreg:$0x0] =	wrdreg $0x60  }
0xae: {  	[dreg:$0x2] =	wrdreg s24  }
0xaf: {  	[dreg:$0x3] =	wrdreg s2  }
0xb0: {  	[dreg:$0x4] =	wrdreg $0x76100  }
0xb1: {  	[dreg:$0x5] =	wrdreg $0x9  }
0xb2: {  	_ =	task.clear_ibuf [dreg:s7], $0x6FFFF;
	_ =	strace $0x90000046  }
0xb3: {  	s29 =	simm.s32 $0x9;
	_ =	strace $0x80000048  }
0xb4: {  	_ =	swait.ge [sflag:s29], $0x1  }
0xb5: {  	[sflag:s29] =	ssyncadd.s32 $0xFFFFFFFF  }
0xb6: {  	_ =	strace $0x90000048  }
0xb7: {  	_ =	sfence  }
0xb8: {  	s30 =	sld [smem:$0x0];
	_ =	sdelay $0x2  }
0xb9: {  	s31 =	sshll.u32 s1, $0xD;
	s1 =	sshrl.u32 s1, $0x2  }
0xba: {  	s3 =	sand.u32 $0x4000, s31;
	s1 =	sadd.s32 s1, s30  }
0xbb: {  	s0 =	sor.u32 s3, s0;
	s1 =	sshll.u32 s1, $0x11  }
0xbc: {  	s0 =	sor.u32 s1, s0  }
0xbd: {  	s0 =	sadd.s32 $0x8F2B, s0  }
0xbe: {  	[sflag:s0] =	ssyncadd.remote.s32 $0x1  }
0xbf: {  	_ =	sfence.sel $0xFFFF  }
0xc0: {  	[dreg:$0x0] =	wrdreg $0xFFFFFFFF;
	(pc) =	sbr.abs _section_cstart, $3  }
0xc1: {  	[dreg:$0x1] =	wrdreg $0xFFFFFFFF  }
0xc2: {  	_ =	task.clear_ibuf [dreg:s7], $0x2FFFF;
	_ =	strace $0x9FFFFFFF  }
0xc3: {  	(tm) =	ssettm $0x7FFFFFFF  }
tec
execute0_lowered:
.L_overlay_start_1:
0x0: {  	(tag) =	ssettag $0x1  }
0x1: {  	s4 =	rddreg [dreg:$0x0]  }
0x2: {  	s8 =	rddreg [dreg:$0x1]  }
0x3: {  	s2 =	rddreg [dreg:$0x2]  }
0x4: {  	s0 =	rddreg [dreg:$0x3]  }
0x5: {  	s5 =	srdreg.scid;
	s1 =	stileid.u32  }
0x6: {  	s3 =	simm.s32 $0x0;
	s13 =	simm.s32 $0x3;
	s14 =	simm.s32 $0x7600  }
0x7: {  	s15 =	simm.s32 $0x1;
	s16 =	simm.s32 $0x80;
	s17 =	simm.s32 $0x2  }
0x8: {  	s18 =	simm.s32 $0x7400;
	s19 =	simm.s32 $0x0;
	s5 =	sand.u32 $0x1, s5  }
0x9: {  	s6 =	sshll.u32 s1, $0x1;
	[smem:$0x7FF] =	sst s3;
	s30 =	smul.u32 $0xF440, s1  }
0xa: {  	s31 =	sshll.u32 s1, $0x6;
	s9 =	sor.u32 s5, s6;
	_ =	strace $0x80000047  }
0xb: {  	s5 =	ssub.s32 $0x2, s5;
	s6 =	sor.u32 $0x1C01, s31;
	s7 =	sshll.u32 s9, $0x9  }
0xc: {  	s10 =	sshrl.u32 s30, $0x3;
	s11 =	sshrl.u32 s5, $0x1;
	s12 =	sadd.s32 s30, s2  }
0xd: {  	s9 =	sshll.u32 s9, $0x6;
	s7 =	sadd.s32 s7, s4;
	s10 =	sadd.s32 s10, s4  }
0xe: {  	s4 =	sadd.s32 $0x2F000, s4;
	s11 =	ssub.s32 s5, s11;
	s8 =	sadd.s32 s8, s9  }
0xf: {  	s5 =	sadd.s32 $0x10600, s10;
	s7 =	sadd.s32 $0x600, s7;
	s9 =	smax.u32 s11, $0x1  }
0x10: {  	s10 =	sshrl.u32 s12, $0x3;
	s11 =	simm.s32 $0x1000;
	s12 =	simm.s32 $0x20000  }
.LBB2_1:
0x11: {  	[spmem:s10], [sflag:s6] =	dma.local [hbm:s5], $0x1E88  }
0x12: {  	[tilespmem:s3], [sflag:$0x3] =	stream.strided.gather [hbm4b:s7+s11], $0x4000, s12, s11, $0x38;
	[tilespmem:$0x16A50] =	vst v63  }
0x13: {  	_ =	swait.ge [sflag:s13], $0x4000  }
0x14: {  	[sflag:s13] =	ssyncset.done $0x0  }
0x15: {  	[sflag:s13] =	ssyncadd.s32 $0xFFFFC000  }
0x16: {  	[tilespmem:s14], [sflag:$0x3] =	stream.linear.gather [hbm4b:s4+s3], $0x10, $0x38;
	[tilespmem:$0x16A50] =	vst v63  }
0x17: {  	_ =	swait.ge [sflag:s13], $0x10  }
0x18: {  	[sflag:s13] =	ssyncset.done $0x0  }
0x19: {  	[sflag:s13] =	ssyncadd.s32 $0xFFFFFFF0  }
0x1a: {  	_ =	swait.ge [sflag:s15], $0x1E88  }
0x1b: {  	s20 =	simm.s32 $0x4180;
	[sflag:s15] =	ssyncset.done $0x0  }
0x1c: {  	s23 =	sand.u32 $0x3000, s3;
	s24 =	sand.u32 $0x380, s3;
	[sflag:s15] =	ssyncadd.s32 $0xFFFFE178  }
0x1d: {  	s21 =	simm.s32 $0x80;
	s22 =	simm.s32 $0x0;
	[bflag:$0x0] =	sbarrier.arrive $0xFFFF  }
.LBB2_2:
0x1e: {  	p0 =	sne.s32 s21, $0xC80;
	s25 =	sadd.s32 $0xFFFFFE80, s20;
	s23 =	sor.u32 s24, s23  }
0x1f: {  	[tilespmem:s25], [sflag:$0x2] =	stream.indirect.gather [spmem:s2], $0x1, s23, s16, $0xb8;
	[tilespmem:$0x16A50] =	vst v63  }
0x20: {  	s24 =	sadd.s32 $0xFFFFFF00, s20;
	s26 =	smov.u32 s20;
	s25 =	sor.u32 $0x400, s23  }
0x21: {  	[tilespmem:s24], [sflag:$0x2] =	stream.indirect.gather [spmem:s2], $0x1, s25, s16, $0xb8;
	[tilespmem:$0x16A50] =	vst v63  }
.Ltmp0:
0x22: {  	s24 =	sadd.s32 $0xFFFFFF80, s20;
	s25 =	sor.u32 $0x800, s23;
	(pc) =	sbr.rel @p0 .LBB2_2-.Ltmp0, $4  }
0x23: {  	[tilespmem:s24], [sflag:$0x2] =	stream.indirect.gather [spmem:s2], $0x1, s25, s16, $0xb8;
	[tilespmem:$0x16A50] =	vst v63  }
0x24: {  	s22 =	sadd.s32 $0x200, s22;
	s23 =	sor.u32 $0xC00, s23;
	s20 =	sadd.s32 $0x200, s20  }
0x25: {  	[tilespmem:s26], [sflag:$0x2] =	stream.indirect.gather [spmem:s2], $0x1, s23, s16, $0xb8;
	[tilespmem:$0x16A50] =	vst v63  }
0x26: {  	s24 =	sand.u32 $0x380, s21;
	s21 =	sadd.s32 $0x80, s21;
	s23 =	sand.u32 $0x3000, s22  }
0x27: {  	s21 =	sadd.s32 $0xFFFFFE80, s20;
	s22 =	sor.u32 s24, s23  }
0x28: {  	[tilespmem:s21], [sflag:$0x2] =	stream.indirect.gather [spmem:s2], $0x1, s22, s16, $0xb8;
	[tilespmem:$0x16A50] =	vst v63  }
0x29: {  	s28 =	sadd.s32 $0xFFFFFF00, s20;
	s23 =	sor.u32 $0x400, s22  }
0x2a: {  	[tilespmem:s28], [sflag:$0x2] =	stream.indirect.gather [spmem:s2], $0x1, s23, s16, $0xb8;
	[tilespmem:$0x16A50] =	vst v63  }
0x2b: {  	s29 =	sadd.s32 $0xFFFFFF80, s20;
	s30 =	sor.u32 $0x800, s22  }
0x2c: {  	[tilespmem:s29], [sflag:$0x2] =	stream.indirect.gather [spmem:s2], $0x1, s30, s16, $0xb8;
	[tilespmem:$0x16A50] =	vst v63  }
0x2d: {  	s31 =	sor.u32 $0xC00, s22  }
0x2e: {  	[tilespmem:s20], [sflag:$0x2] =	stream.indirect.gather [spmem:s2], $0x1, s31, s16, $0xb8;
	[tilespmem:$0x16A50] =	vst v63  }
0x2f: {  	_ =	swait.ge [sflag:s17], $0x3400  }
0x30: {  	[sflag:s17] =	ssyncset.done $0x0  }
0x31: {  	[sflag:s17] =	ssyncadd.s32 $0xFFFFCC00  }
0x32: {  	s20 =	simm.s32 $0x0;
	v0 =	vld [tilespmem:$0x7600]  }
0x33: {  	v1 =	vld [tilespmem:s20+$0x4200]  }
0x34: {  	v2 =	vld [tilespmem:s20+$0x4000]  }
0x35: {  	v3 =	vld [tilespmem:s20+$0x4400]  }
0x36: {  	v4 =	vld [tilespmem:s20+$0x4600]  }
0x37: {  	v5 =	vld [tilespmem:s20+$0x4800]  }
0x38: {  	v6 =	vld [tilespmem:s20+$0x4A00]  }
0x39: {  	v7 =	vld [tilespmem:s20+$0x4C00];
	v2 =	vadd.f32 v2, v0  }
0x3a: {  	v8 =	vld [tilespmem:s20+$0x4E00]  }
0x3b: {  	v1 =	vadd.f32 v4, v1;
	v4 =	vld [tilespmem:s20+$0x5200];
	v2 =	vadd.f32 v3, v2  }
0x3c: {  	v3 =	vld [tilespmem:s20+$0x5000]  }
0x3d: {  	v1 =	vadd.f32 v6, v1;
	v6 =	vld [tilespmem:s20+$0x5600];
	v2 =	vadd.f32 v5, v2  }
0x3e: {  	v5 =	vld [tilespmem:s20+$0x5400]  }
0x3f: {  	v1 =	vadd.f32 v8, v1;
	v8 =	vld [tilespmem:s20+$0x5A00];
	v2 =	vadd.f32 v7, v2  }
0x40: {  	v7 =	vld [tilespmem:s20+$0x5800]  }
0x41: {  	v1 =	vadd.f32 v4, v1;
	v4 =	vld [tilespmem:s20+$0x5E00];
	v2 =	vadd.f32 v3, v2  }
0x42: {  	v3 =	vld [tilespmem:s20+$0x5C00]  }
0x43: {  	v1 =	vadd.f32 v6, v1;
	v6 =	vld [tilespmem:s20+$0x6200];
	v2 =	vadd.f32 v5, v2  }
0x44: {  	v5 =	vld [tilespmem:s20+$0x6000]  }
0x45: {  	v1 =	vadd.f32 v8, v1;
	v8 =	vld [tilespmem:s20+$0x6600];
	v2 =	vadd.f32 v7, v2  }
0x46: {  	v7 =	vld [tilespmem:s20+$0x6400]  }
0x47: {  	v9 =	vld [tilespmem:s20+$0x6800];
	v1 =	vadd.f32 v4, v1;
	v2 =	vadd.f32 v3, v2  }
0x48: {  	v10 =	vld [tilespmem:s20+$0x6A00]  }
0x49: {  	v4 =	vld [tilespmem:s20+$0x6E00];
	v1 =	vadd.f32 v6, v1;
	v3 =	vadd.f32 v5, v2  }
0x4a: {  	v2 =	vld [tilespmem:s20+$0x6C00]  }
0x4b: {  	v5 =	vld [tilespmem:s20+$0x7200];
	v6 =	vadd.f32 v7, v3;
	v7 =	vadd.f32 v8, v1  }
0x4c: {  	s21 =	simm.s32 $0x10;
	v3 =	vld [tilespmem:s20+$0x7000]  }
0x4d: {  	s22 =	simm.s32 $0x80;
	v1 =	vld [tilespmem:s21+$0x4200];
	v6 =	vadd.f32 v9, v6;
	v7 =	vadd.f32 v10, v7  }
.LBB2_4:
0x4e: {  	p0 =	sne.s32 s22, $0x7C0;
	v8 =	vld [tilespmem:s21+$0x4000]  }
0x4f: {  	v9 =	vld [tilespmem:s21+$0x4400];
	v2 =	vadd.f32 v2, v6;
	v4 =	vadd.f32 v4, v7  }
0x50: {  	v6 =	vld [tilespmem:s21+$0x4600]  }
0x51: {  	v7 =	vld [tilespmem:s21+$0x4800];
	v2 =	vadd.f32 v3, v2;
	v3 =	vadd.f32 v5, v4  }
0x52: {  	v4 =	vld [tilespmem:s21+$0x4A00]  }
0x53: {  	v5 =	vadd.f32 v8, v0;
	v8 =	vld [tilespmem:s21+$0x4C00];
	v2 =	vadd.f32 v3, v2  }
0x54: {  	v3 =	vld [tilespmem:s21+$0x4E00]  }
0x55: {  	v5 =	vadd.f32 v9, v5;
	v1 =	vadd.f32 v6, v1;
	v6 =	vld [tilespmem:s21+$0x5000];
	[tilespmem:s20+$0x7400] =	vst v2;
	s20 =	smov.u32 s21  }
0x56: {  	v2 =	vld [tilespmem:s20+$0x5200]  }
0x57: {  	v5 =	vadd.f32 v7, v5;
	v1 =	vadd.f32 v4, v1;
	v4 =	vld [tilespmem:s20+$0x5400]  }
0x58: {  	v7 =	vld [tilespmem:s20+$0x5600]  }
0x59: {  	v5 =	vadd.f32 v8, v5;
	v1 =	vadd.f32 v3, v1;
	v3 =	vld [tilespmem:s20+$0x5800]  }
0x5a: {  	v8 =	vld [tilespmem:s20+$0x5A00]  }
0x5b: {  	v5 =	vadd.f32 v6, v5;
	v1 =	vadd.f32 v2, v1;
	v2 =	vld [tilespmem:s20+$0x5C00]  }
0x5c: {  	v6 =	vld [tilespmem:s20+$0x5E00]  }
0x5d: {  	v4 =	vadd.f32 v4, v5;
	v1 =	vadd.f32 v7, v1;
	v5 =	vld [tilespmem:s20+$0x6000]  }
0x5e: {  	v7 =	vld [tilespmem:s20+$0x6200]  }
0x5f: {  	v3 =	vadd.f32 v3, v4;
	v1 =	vadd.f32 v8, v1;
	v8 =	vld [tilespmem:s20+$0x6400]  }
0x60: {  	v9 =	vld [tilespmem:s20+$0x6600]  }
0x61: {  	v2 =	vadd.f32 v2, v3;
	v1 =	vadd.f32 v6, v1;
	v6 =	vld [tilespmem:s20+$0x6800]  }
0x62: {  	v10 =	vld [tilespmem:s20+$0x6A00]  }
.Ltmp1:
0x63: {  	v3 =	vadd.f32 v5, v2;
	v1 =	vadd.f32 v7, v1;
	v2 =	vld [tilespmem:s20+$0x6C00];
	(pc) =	sbr.rel @p0 .LBB2_4-.Ltmp1, $4  }
0x64: {  	v4 =	vld [tilespmem:s20+$0x6E00]  }
0x65: {  	v7 =	vadd.f32 v8, v3;
	v8 =	vadd.f32 v9, v1;
	v3 =	vld [tilespmem:s20+$0x7000]  }
0x66: {  	s21 =	sshra.s32 s22, $0x2;
	v5 =	vld [tilespmem:s20+$0x7200]  }
0x67: {  	s22 =	sadd.s32 $0x40, s22;
	v1 =	vld [tilespmem:s21+$0x4200];
	v6 =	vadd.f32 v6, v7;
	v7 =	vadd.f32 v10, v8  }
0x68: {  	v8 =	vld [tilespmem:s21+$0x4000]  }
0x69: {  	v9 =	vld [tilespmem:s21+$0x4400];
	v2 =	vadd.f32 v2, v6;
	v4 =	vadd.f32 v4, v7  }
0x6a: {  	v41 =	vld [tilespmem:s21+$0x4600]  }
0x6b: {  	v42 =	vld [tilespmem:s21+$0x4800];
	v2 =	vadd.f32 v3, v2;
	v43 =	vadd.f32 v5, v4  }
0x6c: {  	v44 =	vld [tilespmem:s21+$0x4A00]  }
0x6d: {  	v45 =	vld [tilespmem:s21+$0x4C00];
	v0 =	vadd.f32 v8, v0;
	v2 =	vadd.f32 v43, v2  }
0x6e: {  	v46 =	vld [tilespmem:s21+$0x4E00]  }
0x6f: {  	v47 =	vld [tilespmem:s21+$0x5000];
	v1 =	vadd.f32 v41, v1;
	v0 =	vadd.f32 v9, v0;
	[tilespmem:s20+$0x7400] =	vst v2  }
0x70: {  	v2 =	vld [tilespmem:s21+$0x5200]  }
0x71: {  	v1 =	vadd.f32 v44, v1;
	v48 =	vld [tilespmem:s21+$0x5400];
	v0 =	vadd.f32 v42, v0  }
0x72: {  	v49 =	vld [tilespmem:s21+$0x5600]  }
0x73: {  	v50 =	vld [tilespmem:s21+$0x5800];
	v1 =	vadd.f32 v46, v1;
	v0 =	vadd.f32 v45, v0  }
0x74: {  	v51 =	vld [tilespmem:s21+$0x5A00]  }
0x75: {  	v52 =	vld [tilespmem:s21+$0x5C00];
	v0 =	vadd.f32 v47, v0;
	v1 =	vadd.f32 v2, v1  }
0x76: {  	v53 =	vld [tilespmem:s21+$0x5E00]  }
0x77: {  	v54 =	vld [tilespmem:s21+$0x6000];
	v0 =	vadd.f32 v48, v0;
	v1 =	vadd.f32 v49, v1  }
0x78: {  	v55 =	vld [tilespmem:s21+$0x6200]  }
0x79: {  	v56 =	vld [tilespmem:s21+$0x6400];
	v0 =	vadd.f32 v50, v0;
	v1 =	vadd.f32 v51, v1  }
0x7a: {  	v57 =	vld [tilespmem:s21+$0x6600]  }
0x7b: {  	v58 =	vld [tilespmem:s21+$0x6800];
	v0 =	vadd.f32 v52, v0;
	v1 =	vadd.f32 v53, v1  }
0x7c: {  	v59 =	vld [tilespmem:s21+$0x6A00]  }
0x7d: {  	v60 =	vld [tilespmem:s21+$0x6C00];
	v0 =	vadd.f32 v54, v0;
	v1 =	vadd.f32 v55, v1  }
0x7e: {  	v61 =	vld [tilespmem:s21+$0x6E00]  }
0x7f: {  	v62 =	vld [tilespmem:s21+$0x7000];
	v0 =	vadd.f32 v56, v0;
	v1 =	vadd.f32 v57, v1  }
0x80: {  	v63 =	vld [tilespmem:s21+$0x7200]  }
0x81: {  	v0 =	vadd.f32 v58, v0;
	v1 =	vadd.f32 v59, v1;
	_ =	sdelay $0x1  }
0x82: {  	v0 =	vadd.f32 v60, v0;
	v1 =	vadd.f32 v61, v1;
	_ =	sdelay $0x1  }
0x83: {  	v0 =	vadd.f32 v62, v0;
	v1 =	vadd.f32 v63, v1;
	_ =	sdelay $0x1  }
0x84: {  	s19 =	sadd.s32 $0x1, s19;
	v0 =	vadd.f32 v1, v0  }
0x85: {  	p0 =	sne.s32 s19, s9  }
.Ltmp2:
0x86: {  	[tilespmem:s21+$0x7400] =	vst v0;
	(pc) =	sbr.rel @p0 .LBB2_1-.Ltmp2, $4  }
0x87: {  	[hbm4b:s8+s3] =	stream.linear.scatter [tilespmem:s18], [sflag:$0x3], $0x200, $0x38;
	[tilespmem:$0x16A50] =	vst v63  }
0x88: {  	_ =	swait.ge [sflag:s13], $0x200  }
0x89: {  	[sflag:s13] =	ssyncset.done $0x0  }
0x8a: {  	[sflag:s13] =	ssyncadd.s32 $0xFFFFFE00  }
0x8b: {  	_ =	sfence.sel $0x180000  }
0x8c: {  	[bflag:$0x0] =	sbarrier.arrive $0xFFFF  }
0x8d: {  	p0 =	sne.s32 s1, $0x0;
	_ =	strace $0x90000047  }
0x8e: {  	s0 =	sadd.s32 @!p0 $0x100000, s0;
	[bflag:$0x2] =	sbarrier.arrive $0xFFFF  }
0x8f: {  	[sflag:s0] =	ssyncadd.tile.s32 @!p0 $0x1;
	_ =	shalt  }
.Lfunc_end2:
_tile_overlayer_lowered:
.L_overlay_start_2:
0x90: {  	(tag) =	ssettag $0x2  }
0x91: {  	s0 =	rddreg [dreg:$0x0];
	s2 =	stileid.u32  }
0x92: {  	s1 =	rddreg [dreg:$0x1];
	p0 =	sne.s32 s2, $0x0  }
0x93: {  	s3 =	rddreg [dreg:$0x2];
	[bflag:$0x3] =	sbarrier.arrive $0xFFFF;
	s2 =	simm.s32 @!p0 $0x1C03  }
0x94: {  	[timem:s3], [sflag:s2] =	dma.local @!p0 [hbm:s0], s1  }
0x95: {  	s0 =	simm.s32 @!p0 $0x3  }
0x96: {  	_ =	swait.ge @!p0 [sflag:s0], s1  }
0x97: {  	s1 =	ssub.s32 @!p0 $0x0, s1;
	[sflag:s0] =	ssyncset.done @!p0 $0x0  }
0x98: {  	[sflag:s0] =	ssyncadd.s32 @!p0 s1  }
0x99: {  	[bflag:$0x3] =	sbarrier.arrive $0xFFFF  }
0x9a: {  	_ =	shalt  }

</sc_bundles>
